<compile_context>
chip_gen: v7x
topology: tpu7x:2x2x1
jax: 0.10.2.dev20260603
libtpu: 0.0.44.dev20260713+nightly
codegen_flags: <defaults>
</compile_context>

<pallas_src>
import functools

import jax
import jax.numpy as jnp
from jax import lax
from jax.experimental import pallas as pl
from jax.experimental.pallas import tpu as pltpu
from jax.experimental.pallas import tpu_sc as plsc

VOCAB = 100000
EMB = 64
HID = 256
TAGS = 5
B = 4096
L = 200

NC = 2
NS = 16
NW = NC * NS
NB = B // NW
C0 = 128
C1 = L - C0


def _pool_sums_sc(x, table):
    mesh = plsc.VectorSubcoreMesh(core_axis_name="c", subcore_axis_name="s")

    @functools.partial(
        pl.kernel,
        mesh=mesh,
        out_type=jax.ShapeDtypeStruct((B, EMB), jnp.float32),
        compiler_params=pltpu.CompilerParams(use_tc_tiling_on_sc=False,
                                             needs_layout_passes=False),
        scratch_types=[
            pltpu.VMEM((NB, L), jnp.int32),
            pltpu.VMEM((C0, EMB), jnp.float32),
            pltpu.VMEM((C1, EMB), jnp.float32),
            pltpu.VMEM((C0, EMB), jnp.float32),
            pltpu.VMEM((C1, EMB), jnp.float32),
            pltpu.VMEM((NB, EMB), jnp.float32),
            pltpu.SemaphoreType.DMA,
            pltpu.SemaphoreType.DMA,
        ],
    )
    def k(x_hbm, tab_hbm, out_hbm, idx_v, a0, a1, b0, b1, pooled_v, sem_a, sem_b):
        wid = lax.axis_index("s") * NC + lax.axis_index("c")
        pltpu.sync_copy(x_hbm.at[pl.ds(wid * NB, NB)], idx_v)

        def fire(i, dst0, dst1, sem):
            pltpu.async_copy(tab_hbm.at[idx_v.at[i, pl.ds(0, C0)]], dst0, sem)
            pltpu.async_copy(tab_hbm.at[idx_v.at[i, pl.ds(C0, C1)]], dst1, sem)

        def drain(dst0, dst1, sem):
            pltpu.make_async_copy(tab_hbm.at[idx_v.at[0, pl.ds(0, C0)]], dst0,
                                  sem).wait()
            pltpu.make_async_copy(tab_hbm.at[idx_v.at[0, pl.ds(C0, C1)]], dst1,
                                  sem).wait()

        def accum(i, dst0, dst1):
            def make_body(dst):
                def body(j, accs):
                    out = list(accs)
                    for ci in range(4):
                        out[ci] = out[ci] + dst[j, pl.ds(16 * ci, 16)]
                    return tuple(out)
                return body

            accs = tuple(jnp.zeros((16,), jnp.float32) for _ in range(4))
            accs = lax.fori_loop(0, C0, make_body(dst0), accs)
            accs = lax.fori_loop(0, C1, make_body(dst1), accs)
            for ci in range(4):
                pooled_v[i, pl.ds(16 * ci, 16)] = accs[ci]

        fire(0, a0, a1, sem_a)

        def outer(kk, carry):
            i0 = 2 * kk
            i1 = i0 + 1
            fire(i1, b0, b1, sem_b)
            drain(a0, a1, sem_a)
            accum(i0, a0, a1)

            @pl.when(kk < NB // 2 - 1)
            def _():
                fire(i1 + 1, a0, a1, sem_a)

            drain(b0, b1, sem_b)
            accum(i1, b0, b1)
            return carry

        lax.fori_loop(0, NB // 2, outer, 0)
        pltpu.sync_copy(pooled_v, out_hbm.at[pl.ds(wid * NB, NB)])

    return k(x, table)


def _mlp_tc(sums, W1, b1, W2, b2, Wc, bc):

    def body(s_ref, w1_ref, b1_ref, w2_ref, b2_ref, wc_ref, bc_ref, o_ref):
        p = s_ref[...] * (1.0 / L)
        h = jnp.dot(p, w1_ref[...], preferred_element_type=jnp.float32)
        h = jnp.maximum(h + b1_ref[...][None, :], 0.0)
        h = jnp.dot(h, w2_ref[...], preferred_element_type=jnp.float32)
        h = jnp.maximum(h + b2_ref[...][None, :], 0.0)
        o_ref[...] = (
            jnp.dot(h, wc_ref[...], preferred_element_type=jnp.float32)
            + bc_ref[...][None, :]
        )

    return pl.pallas_call(
        body,
        out_shape=jax.ShapeDtypeStruct((B, TAGS), jnp.float32),
    )(sums, W1, b1, W2, b2, Wc, bc)


def kernel(x, emb_table, W1, b1, W2, b2, Wc, bc):
    sums = _pool_sums_sc(x.astype(jnp.int32), emb_table)
    return _mlp_tc(sums, W1, b1, W2, b2, Wc, bc)

# --- scband reference (transcript-rebuilt; emitter-appended) ---
"""Pipeline reference for scband-dan-model-20590073217393 (READ-ONLY COPY).

The authoritative reference and input builder live on the scoring server;
editing this copy changes nothing except your own understanding.
"""

import jax, jax.numpy as jnp
import numpy as np

VOCAB = 100000
EMB = 64
HID = 256
TAGS = 5
B = 4096
L = 200


def setup_inputs(seed: int = 0) -> dict:
    key = jax.random.key(seed)
    ks = jax.random.split(key, 9)
    x = jax.random.randint(ks[0], (B, L), 0, VOCAB, dtype=jnp.int64 if jax.config.jax_enable_x64 else jnp.int32)
    emb_table = jax.random.uniform(ks[1], (VOCAB, EMB), minval=-0.08, maxval=0.08, dtype=jnp.float32)
    W1 = jax.random.uniform(ks[2], (EMB, HID), minval=-0.08, maxval=0.08, dtype=jnp.float32)
    b1 = jax.random.uniform(ks[3], (HID,), minval=-0.08, maxval=0.08, dtype=jnp.float32)
    W2 = jax.random.uniform(ks[4], (HID, HID), minval=-0.08, maxval=0.08, dtype=jnp.float32)
    b2 = jax.random.uniform(ks[5], (HID,), minval=-0.08, maxval=0.08, dtype=jnp.float32)
    Wc = jax.random.uniform(ks[6], (HID, TAGS), minval=-0.08, maxval=0.08, dtype=jnp.float32)
    bc = jax.random.uniform(ks[7], (TAGS,), minval=-0.08, maxval=0.08, dtype=jnp.float32)
    return {"x": x, "emb_table": emb_table, "W1": W1, "b1": b1, "W2": W2, "b2": b2, "Wc": Wc, "bc": bc}


def reference(x, emb_table, W1, b1, W2, b2, Wc, bc):
    # Embedding lookup: [B, L, EMB]
    embedded = jnp.take(emb_table, x, axis=0)
    # Dropout is identity in eval mode (p effectively 0 here)
    # avg_pool2d over (seq_len, 1) then squeeze -> mean over sequence dim
    pooled = jnp.mean(embedded, axis=1)  # [B, EMB]
    # Hidden layer 1: Linear + ReLU
    h = jnp.maximum(pooled @ W1 + b1, 0.0)
    # Hidden layer 2: Linear + ReLU
    h = jnp.maximum(h @ W2 + b2, 0.0)
    # Classifier
    scores = h @ Wc + bc  # [B, TAGS]
    return scores

if __name__ == "__main__":
    import jax
    _d = setup_inputs()
    print(jax.jit(kernel)(*tuple(_d.values())))

</pallas_src>

<mosaic_0001>
#map = affine_map<(d0, d1) -> (0, 0)>
module attributes {stable_mosaic.version = 14 : i64} {
  func.func @k(%arg0: i32, %arg1: i32, %arg2: memref<4096x200xi32, #tpu.memory_space<hbm>>, %arg3: memref<100000x64xf32, #tpu.memory_space<hbm>>, %arg4: memref<4096x64xf32, #tpu.memory_space<hbm>>, %arg5: memref<128x200xi32, #tpu.memory_space<vmem>>, %arg6: memref<128x64xf32, #tpu.memory_space<vmem>>, %arg7: memref<72x64xf32, #tpu.memory_space<vmem>>, %arg8: memref<128x64xf32, #tpu.memory_space<vmem>>, %arg9: memref<72x64xf32, #tpu.memory_space<vmem>>, %arg10: memref<128x64xf32, #tpu.memory_space<vmem>>, %arg11: memref<!tpu.dma_semaphore, #tpu.memory_space<semaphore_mem>>, %arg12: memref<!tpu.dma_semaphore, #tpu.memory_space<semaphore_mem>>) attributes {dimension_semantics = [#tpu.dimension_semantics<core_parallel>, #tpu.dimension_semantics<subcore_parallel>], iteration_bounds = array<i64: 2, 16>, scalar_prefetch = 0 : i64, scratch_operands = 8 : i64, tpu.core_type = #tpu.core_type<sc_vector_subcore>, window_params = [{transform_indices = #map}, {transform_indices = #map}, {transform_indices = #map}]} {
    %mul3A = arith.constant 2 : i32
    %mul3A_0 = arith.muli %arg1, %mul3A : i32
    %add3A = arith.addi %mul3A_0, %arg0 : i32
    %mul3A_1 = arith.constant 128 : i32
    %mul3A_2 = arith.muli %add3A, %mul3A_1 : i32
    "tpu.region"() ({
      %run_scoped3A = tpu.sem_alloc : memref<!tpu.dma_semaphore, #tpu.memory_space<semaphore_mem>>
      %dma_start3A_23 = arith.constant 0 : i32
      %dma_start3A_24 = tpu.memref_slice %arg2[%mul3A_2, %dma_start3A_23] : memref<4096x200xi32, #tpu.memory_space<hbm>> -> memref<128x200xi32, #tpu.memory_space<hbm>>
      %dma_start3A_25 = arith.constant 0 : i32
      %dma_start3A_26 = tpu.memref_slice %arg2[%mul3A_2, %dma_start3A_25] : memref<4096x200xi32, #tpu.memory_space<hbm>> -> memref<128x200xi32, #tpu.memory_space<hbm>>
      tpu.enqueue_dma source(%dma_start3A_26 : memref<128x200xi32, #tpu.memory_space<hbm>>) target(%arg5 : memref<128x200xi32, #tpu.memory_space<vmem>>) target_semaphore(%run_scoped3A : memref<!tpu.dma_semaphore, #tpu.memory_space<semaphore_mem>>)
      %dma_wait3A = arith.constant 0 : i32
      %dma_wait3A_27 = tpu.memref_slice %arg2[%mul3A_2, %dma_wait3A] : memref<4096x200xi32, #tpu.memory_space<hbm>> -> memref<128x200xi32, #tpu.memory_space<hbm>>
      %dma_wait3A_28 = arith.constant 0 : i32
      %dma_wait3A_29 = tpu.memref_slice %arg2[%mul3A_2, %dma_wait3A_28] : memref<4096x200xi32, #tpu.memory_space<hbm>> -> memref<128x200xi32, #tpu.memory_space<hbm>>
      tpu.wait_dma2 semaphore(%run_scoped3A : memref<!tpu.dma_semaphore, #tpu.memory_space<semaphore_mem>>) src(%dma_wait3A_29 : memref<128x200xi32, #tpu.memory_space<hbm>>) dst(%arg5 : memref<128x200xi32, #tpu.memory_space<vmem>>)
      tpu.yield
    }) : () -> ()
    %dma_start3A = arith.constant 0 : i32
    %dma_start3A_3 = arith.constant 0 : i32
    %dma_start3A_4 = tpu.memref_slice %arg5[%dma_start3A, %dma_start3A_3] : memref<128x200xi32, #tpu.memory_space<vmem>> -> memref<1x128xi32, #tpu.memory_space<vmem>>
    %dma_start3A_5 = tpu.memref_squeeze %dma_start3A_4 : memref<1x128xi32, #tpu.memory_space<vmem>> -> memref<128xi32, #tpu.memory_space<vmem>>
    %dma_start3A_6 = arith.constant 0 : i32
    %dma_start3A_7 = arith.constant 0 : i32
    %dma_start3A_8 = tpu.memref_slice %arg3[%dma_start3A_6, %dma_start3A_7] : memref<100000x64xf32, #tpu.memory_space<hbm>> -> memref<100000x64xf32, #tpu.memory_space<hbm>>
    tpu.enqueue_indirect_dma source(%dma_start3A_8 : memref<100000x64xf32, #tpu.memory_space<hbm>>) target(%arg6 : memref<128x64xf32, #tpu.memory_space<vmem>>) offsets(%dma_start3A_5 : memref<128xi32, #tpu.memory_space<vmem>>) semaphore(%arg11 : memref<!tpu.dma_semaphore, #tpu.memory_space<semaphore_mem>>)
    %dma_start3A_9 = arith.constant 0 : i32
    %dma_start3A_10 = arith.constant 128 : i32
    %dma_start3A_11 = tpu.memref_slice %arg5[%dma_start3A_9, %dma_start3A_10] : memref<128x200xi32, #tpu.memory_space<vmem>> -> memref<1x72xi32, #tpu.memory_space<vmem>>
    %dma_start3A_12 = tpu.memref_squeeze %dma_start3A_11 : memref<1x72xi32, #tpu.memory_space<vmem>> -> memref<72xi32, #tpu.memory_space<vmem>>
    %dma_start3A_13 = arith.constant 0 : i32
    %dma_start3A_14 = arith.constant 0 : i32
    %dma_start3A_15 = tpu.memref_slice %arg3[%dma_start3A_13, %dma_start3A_14] : memref<100000x64xf32, #tpu.memory_space<hbm>> -> memref<100000x64xf32, #tpu.memory_space<hbm>>
    tpu.enqueue_indirect_dma source(%dma_start3A_15 : memref<100000x64xf32, #tpu.memory_space<hbm>>) target(%arg7 : memref<72x64xf32, #tpu.memory_space<vmem>>) offsets(%dma_start3A_12 : memref<72xi32, #tpu.memory_space<vmem>>) semaphore(%arg11 : memref<!tpu.dma_semaphore, #tpu.memory_space<semaphore_mem>>)
    %scan3A = arith.constant 0 : i32
    %scan3A_16 = arith.constant 0 : i32
    %scan3A_17 = arith.constant 64 : i32
    %scan3A_18 = arith.addi %scan3A_16, %scan3A_17 : i32
    %scan3A_19 = arith.constant 1 : i32
    scf.for %scan3A_23 = %scan3A_16 to %scan3A_18 step %scan3A_19  : i32 {
      %mul3A_24 = arith.constant 2 : i32
      %mul3A_25 = arith.muli %mul3A_24, %scan3A_23 : i32
      %add3A_26 = arith.constant 1 : i32
      %add3A_27 = arith.addi %mul3A_25, %add3A_26 : i32
      %dma_start3A_28 = arith.constant 0 : i32
      %dma_start3A_29 = tpu.memref_slice %arg5[%add3A_27, %dma_start3A_28] : memref<128x200xi32, #tpu.memory_space<vmem>> -> memref<1x128xi32, #tpu.memory_space<vmem>>
      %dma_start3A_30 = tpu.memref_squeeze %dma_start3A_29 : memref<1x128xi32, #tpu.memory_space<vmem>> -> memref<128xi32, #tpu.memory_space<vmem>>
      %dma_start3A_31 = arith.constant 0 : i32
      %dma_start3A_32 = arith.constant 0 : i32
      %dma_start3A_33 = tpu.memref_slice %arg3[%dma_start3A_31, %dma_start3A_32] : memref<100000x64xf32, #tpu.memory_space<hbm>> -> memref<100000x64xf32, #tpu.memory_space<hbm>>
      tpu.enqueue_indirect_dma source(%dma_start3A_33 : memref<100000x64xf32, #tpu.memory_space<hbm>>) target(%arg8 : memref<128x64xf32, #tpu.memory_space<vmem>>) offsets(%dma_start3A_30 : memref<128xi32, #tpu.memory_space<vmem>>) semaphore(%arg12 : memref<!tpu.dma_semaphore, #tpu.memory_space<semaphore_mem>>)
      %dma_start3A_34 = arith.constant 128 : i32
      %dma_start3A_35 = tpu.memref_slice %arg5[%add3A_27, %dma_start3A_34] : memref<128x200xi32, #tpu.memory_space<vmem>> -> memref<1x72xi32, #tpu.memory_space<vmem>>
      %dma_start3A_36 = tpu.memref_squeeze %dma_start3A_35 : memref<1x72xi32, #tpu.memory_space<vmem>> -> memref<72xi32, #tpu.memory_space<vmem>>
      %dma_start3A_37 = arith.constant 0 : i32
      %dma_start3A_38 = arith.constant 0 : i32
      %dma_start3A_39 = tpu.memref_slice %arg3[%dma_start3A_37, %dma_start3A_38] : memref<100000x64xf32, #tpu.memory_space<hbm>> -> memref<100000x64xf32, #tpu.memory_space<hbm>>
      tpu.enqueue_indirect_dma source(%dma_start3A_39 : memref<100000x64xf32, #tpu.memory_space<hbm>>) target(%arg9 : memref<72x64xf32, #tpu.memory_space<vmem>>) offsets(%dma_start3A_36 : memref<72xi32, #tpu.memory_space<vmem>>) semaphore(%arg12 : memref<!tpu.dma_semaphore, #tpu.memory_space<semaphore_mem>>)
      %dma_wait3A = arith.constant 0 : i32
      %dma_wait3A_40 = arith.constant 0 : i32
      %dma_wait3A_41 = tpu.memref_slice %arg5[%dma_wait3A, %dma_wait3A_40] : memref<128x200xi32, #tpu.memory_space<vmem>> -> memref<1x128xi32, #tpu.memory_space<vmem>>
      %dma_wait3A_42 = tpu.memref_squeeze %dma_wait3A_41 : memref<1x128xi32, #tpu.memory_space<vmem>> -> memref<128xi32, #tpu.memory_space<vmem>>
      %dma_wait3A_43 = arith.constant 0 : i32
      %dma_wait3A_44 = arith.constant 0 : i32
      %dma_wait3A_45 = tpu.memref_slice %arg3[%dma_wait3A_43, %dma_wait3A_44] : memref<100000x64xf32, #tpu.memory_space<hbm>> -> memref<100000x64xf32, #tpu.memory_space<hbm>>
      tpu.wait_indirect_dma semaphore(%arg11 : memref<!tpu.dma_semaphore, #tpu.memory_space<semaphore_mem>>) src(%dma_wait3A_45 : memref<100000x64xf32, #tpu.memory_space<hbm>>) dst(%arg6 : memref<128x64xf32, #tpu.memory_space<vmem>>)
      %dma_wait3A_46 = arith.constant 0 : i32
      %dma_wait3A_47 = arith.constant 128 : i32
      %dma_wait3A_48 = tpu.memref_slice %arg5[%dma_wait3A_46, %dma_wait3A_47] : memref<128x200xi32, #tpu.memory_space<vmem>> -> memref<1x72xi32, #tpu.memory_space<vmem>>
      %dma_wait3A_49 = tpu.memref_squeeze %dma_wait3A_48 : memref<1x72xi32, #tpu.memory_space<vmem>> -> memref<72xi32, #tpu.memory_space<vmem>>
      %dma_wait3A_50 = arith.constant 0 : i32
      %dma_wait3A_51 = arith.constant 0 : i32
      %dma_wait3A_52 = tpu.memref_slice %arg3[%dma_wait3A_50, %dma_wait3A_51] : memref<100000x64xf32, #tpu.memory_space<hbm>> -> memref<100000x64xf32, #tpu.memory_space<hbm>>
      tpu.wait_indirect_dma semaphore(%arg11 : memref<!tpu.dma_semaphore, #tpu.memory_space<semaphore_mem>>) src(%dma_wait3A_52 : memref<100000x64xf32, #tpu.memory_space<hbm>>) dst(%arg7 : memref<72x64xf32, #tpu.memory_space<vmem>>)
      %broadcast_in_dim3A = arith.constant 0.000000e+00 : f32
      %broadcast_in_dim3A_53 = vector.broadcast %broadcast_in_dim3A : f32 to vector<16xf32>
      %broadcast_in_dim3A_54 = arith.constant 0.000000e+00 : f32
      %broadcast_in_dim3A_55 = vector.broadcast %broadcast_in_dim3A_54 : f32 to vector<16xf32>
      %broadcast_in_dim3A_56 = arith.constant 0.000000e+00 : f32
      %broadcast_in_dim3A_57 = vector.broadcast %broadcast_in_dim3A_56 : f32 to vector<16xf32>
      %broadcast_in_dim3A_58 = arith.constant 0.000000e+00 : f32
      %broadcast_in_dim3A_59 = vector.broadcast %broadcast_in_dim3A_58 : f32 to vector<16xf32>
      %scan3A_60 = arith.constant 0 : i32
      %scan3A_61 = arith.constant 128 : i32
      %scan3A_62 = arith.addi %scan3A_60, %scan3A_61 : i32
      %scan3A_63 = arith.constant 1 : i32
      %scan3A_64:4 = scf.for %scan3A_131 = %scan3A_60 to %scan3A_62 step %scan3A_63 iter_args(%scan3A_132 = %broadcast_in_dim3A_53, %scan3A_133 = %broadcast_in_dim3A_55, %scan3A_134 = %broadcast_in_dim3A_57, %scan3A_135 = %broadcast_in_dim3A_59) -> (vector<16xf32>, vector<16xf32>, vector<16xf32>, vector<16xf32>)  : i32 {
        %get3A = arith.index_cast %scan3A_131 : i32 to index
        %get3A_136 = arith.constant 0 : index
        %get3A_137 = tpu.vector_load %arg6[%get3A, %get3A_136] {strides = array<i32>} : memref<128x64xf32, #tpu.memory_space<vmem>>, vector<16xf32>,
        %add3A_138 = arith.addf %scan3A_132, %get3A_137 : vector<16xf32>
        %get3A_139 = arith.index_cast %scan3A_131 : i32 to index
        %get3A_140 = arith.constant 16 : index
        %get3A_141 = tpu.vector_load %arg6[%get3A_139, %get3A_140] {strides = array<i32>} : memref<128x64xf32, #tpu.memory_space<vmem>>, vector<16xf32>,
        %add3A_142 = arith.addf %scan3A_133, %get3A_141 : vector<16xf32>
        %get3A_143 = arith.index_cast %scan3A_131 : i32 to index
        %get3A_144 = arith.constant 32 : index
        %get3A_145 = tpu.vector_load %arg6[%get3A_143, %get3A_144] {strides = array<i32>} : memref<128x64xf32, #tpu.memory_space<vmem>>, vector<16xf32>,
        %add3A_146 = arith.addf %scan3A_134, %get3A_145 : vector<16xf32>
        %get3A_147 = arith.index_cast %scan3A_131 : i32 to index
        %get3A_148 = arith.constant 48 : index
        %get3A_149 = tpu.vector_load %arg6[%get3A_147, %get3A_148] {strides = array<i32>} : memref<128x64xf32, #tpu.memory_space<vmem>>, vector<16xf32>,
        %add3A_150 = arith.addf %scan3A_135, %get3A_149 : vector<16xf32>
        scf.yield %add3A_138, %add3A_142, %add3A_146, %add3A_150 : vector<16xf32>, vector<16xf32>, vector<16xf32>, vector<16xf32>
      }
      %scan3A_65 = arith.constant 128 : i32
      %scan3A_66 = arith.constant 0 : i32
      %scan3A_67 = arith.constant 72 : i32
      %scan3A_68 = arith.addi %scan3A_66, %scan3A_67 : i32
      %scan3A_69 = arith.constant 1 : i32
      %scan3A_70:4 = scf.for %scan3A_131 = %scan3A_66 to %scan3A_68 step %scan3A_69 iter_args(%scan3A_132 = %scan3A_64#0, %scan3A_133 = %scan3A_64#1, %scan3A_134 = %scan3A_64#2, %scan3A_135 = %scan3A_64#3) -> (vector<16xf32>, vector<16xf32>, vector<16xf32>, vector<16xf32>)  : i32 {
        %get3A = arith.index_cast %scan3A_131 : i32 to index
        %get3A_136 = arith.constant 0 : index
        %get3A_137 = tpu.vector_load %arg7[%get3A, %get3A_136] {strides = array<i32>} : memref<72x64xf32, #tpu.memory_space<vmem>>, vector<16xf32>,
        %add3A_138 = arith.addf %scan3A_132, %get3A_137 : vector<16xf32>
        %get3A_139 = arith.index_cast %scan3A_131 : i32 to index
        %get3A_140 = arith.constant 16 : index
        %get3A_141 = tpu.vector_load %arg7[%get3A_139, %get3A_140] {strides = array<i32>} : memref<72x64xf32, #tpu.memory_space<vmem>>, vector<16xf32>,
        %add3A_142 = arith.addf %scan3A_133, %get3A_141 : vector<16xf32>
        %get3A_143 = arith.index_cast %scan3A_131 : i32 to index
        %get3A_144 = arith.constant 32 : index
        %get3A_145 = tpu.vector_load %arg7[%get3A_143, %get3A_144] {strides = array<i32>} : memref<72x64xf32, #tpu.memory_space<vmem>>, vector<16xf32>,
        %add3A_146 = arith.addf %scan3A_134, %get3A_145 : vector<16xf32>
        %get3A_147 = arith.index_cast %scan3A_131 : i32 to index
        %get3A_148 = arith.constant 48 : index
        %get3A_149 = tpu.vector_load %arg7[%get3A_147, %get3A_148] {strides = array<i32>} : memref<72x64xf32, #tpu.memory_space<vmem>>, vector<16xf32>,
        %add3A_150 = arith.addf %scan3A_135, %get3A_149 : vector<16xf32>
        scf.yield %add3A_138, %add3A_142, %add3A_146, %add3A_150 : vector<16xf32>, vector<16xf32>, vector<16xf32>, vector<16xf32>
      }
      %scan3A_71 = arith.constant 72 : i32
      %swap3A = arith.index_cast %mul3A_25 : i32 to index
      %swap3A_72 = arith.constant 0 : index
      %swap3A_73 = tpu.vector_load %arg10[%swap3A, %swap3A_72] {strides = array<i32>} : memref<128x64xf32, #tpu.memory_space<vmem>>, vector<16xf32>,
      tpu.vector_store %arg10[%swap3A, %swap3A_72], %scan3A_70#0 {strides = array<i32>} : memref<128x64xf32, #tpu.memory_space<vmem>>, vector<16xf32>,
      %swap3A_74 = arith.index_cast %mul3A_25 : i32 to index
      %swap3A_75 = arith.constant 16 : index
      %swap3A_76 = tpu.vector_load %arg10[%swap3A_74, %swap3A_75] {strides = array<i32>} : memref<128x64xf32, #tpu.memory_space<vmem>>, vector<16xf32>,
      tpu.vector_store %arg10[%swap3A_74, %swap3A_75], %scan3A_70#1 {strides = array<i32>} : memref<128x64xf32, #tpu.memory_space<vmem>>, vector<16xf32>,
      %swap3A_77 = arith.index_cast %mul3A_25 : i32 to index
      %swap3A_78 = arith.constant 32 : index
      %swap3A_79 = tpu.vector_load %arg10[%swap3A_77, %swap3A_78] {strides = array<i32>} : memref<128x64xf32, #tpu.memory_space<vmem>>, vector<16xf32>,
      tpu.vector_store %arg10[%swap3A_77, %swap3A_78], %scan3A_70#2 {strides = array<i32>} : memref<128x64xf32, #tpu.memory_space<vmem>>, vector<16xf32>,
      %swap3A_80 = arith.index_cast %mul3A_25 : i32 to index
      %swap3A_81 = arith.constant 48 : index
      %swap3A_82 = tpu.vector_load %arg10[%swap3A_80, %swap3A_81] {strides = array<i32>} : memref<128x64xf32, #tpu.memory_space<vmem>>, vector<16xf32>,
      tpu.vector_store %arg10[%swap3A_80, %swap3A_81], %scan3A_70#3 {strides = array<i32>} : memref<128x64xf32, #tpu.memory_space<vmem>>, vector<16xf32>,
      %lt3A = arith.constant 63 : i32
      %lt3A_83 = arith.cmpi slt, %scan3A_23, %lt3A : i32
      %convert_element_type3A = arith.extui %lt3A_83 : i1 to i32
      %cond3A = arith.constant 0 : i32
      %cond3A_84 = arith.cmpi ne, %convert_element_type3A, %cond3A : i32
      scf.if %cond3A_84 {
        %add3A_131 = arith.constant 1 : i32
        %add3A_132 = arith.addi %add3A_27, %add3A_131 : i32
        %dma_start3A_133 = arith.constant 0 : i32
        %dma_start3A_134 = tpu.memref_slice %arg5[%add3A_132, %dma_start3A_133] : memref<128x200xi32, #tpu.memory_space<vmem>> -> memref<1x128xi32, #tpu.memory_space<vmem>>
        %dma_start3A_135 = tpu.memref_squeeze %dma_start3A_134 : memref<1x128xi32, #tpu.memory_space<vmem>> -> memref<128xi32, #tpu.memory_space<vmem>>
        %dma_start3A_136 = arith.constant 0 : i32
        %dma_start3A_137 = arith.constant 0 : i32
        %dma_start3A_138 = tpu.memref_slice %arg3[%dma_start3A_136, %dma_start3A_137] : memref<100000x64xf32, #tpu.memory_space<hbm>> -> memref<100000x64xf32, #tpu.memory_space<hbm>>
        tpu.enqueue_indirect_dma source(%dma_start3A_138 : memref<100000x64xf32, #tpu.memory_space<hbm>>) target(%arg6 : memref<128x64xf32, #tpu.memory_space<vmem>>) offsets(%dma_start3A_135 : memref<128xi32, #tpu.memory_space<vmem>>) semaphore(%arg11 : memref<!tpu.dma_semaphore, #tpu.memory_space<semaphore_mem>>)
        %dma_start3A_139 = arith.constant 128 : i32
        %dma_start3A_140 = tpu.memref_slice %arg5[%add3A_132, %dma_start3A_139] : memref<128x200xi32, #tpu.memory_space<vmem>> -> memref<1x72xi32, #tpu.memory_space<vmem>>
        %dma_start3A_141 = tpu.memref_squeeze %dma_start3A_140 : memref<1x72xi32, #tpu.memory_space<vmem>> -> memref<72xi32, #tpu.memory_space<vmem>>
        %dma_start3A_142 = arith.constant 0 : i32
        %dma_start3A_143 = arith.constant 0 : i32
        %dma_start3A_144 = tpu.memref_slice %arg3[%dma_start3A_142, %dma_start3A_143] : memref<100000x64xf32, #tpu.memory_space<hbm>> -> memref<100000x64xf32, #tpu.memory_space<hbm>>
        tpu.enqueue_indirect_dma source(%dma_start3A_144 : memref<100000x64xf32, #tpu.memory_space<hbm>>) target(%arg7 : memref<72x64xf32, #tpu.memory_space<vmem>>) offsets(%dma_start3A_141 : memref<72xi32, #tpu.memory_space<vmem>>) semaphore(%arg11 : memref<!tpu.dma_semaphore, #tpu.memory_space<semaphore_mem>>)
      } else {
      }
      %dma_wait3A_85 = arith.constant 0 : i32
      %dma_wait3A_86 = arith.constant 0 : i32
      %dma_wait3A_87 = tpu.memref_slice %arg5[%dma_wait3A_85, %dma_wait3A_86] : memref<128x200xi32, #tpu.memory_space<vmem>> -> memref<1x128xi32, #tpu.memory_space<vmem>>
      %dma_wait3A_88 = tpu.memref_squeeze %dma_wait3A_87 : memref<1x128xi32, #tpu.memory_space<vmem>> -> memref<128xi32, #tpu.memory_space<vmem>>
      %dma_wait3A_89 = arith.constant 0 : i32
      %dma_wait3A_90 = arith.constant 0 : i32
      %dma_wait3A_91 = tpu.memref_slice %arg3[%dma_wait3A_89, %dma_wait3A_90] : memref<100000x64xf32, #tpu.memory_space<hbm>> -> memref<100000x64xf32, #tpu.memory_space<hbm>>
      tpu.wait_indirect_dma semaphore(%arg12 : memref<!tpu.dma_semaphore, #tpu.memory_space<semaphore_mem>>) src(%dma_wait3A_91 : memref<100000x64xf32, #tpu.memory_space<hbm>>) dst(%arg8 : memref<128x64xf32, #tpu.memory_space<vmem>>)
      %dma_wait3A_92 = arith.constant 0 : i32
      %dma_wait3A_93 = arith.constant 128 : i32
      %dma_wait3A_94 = tpu.memref_slice %arg5[%dma_wait3A_92, %dma_wait3A_93] : memref<128x200xi32, #tpu.memory_space<vmem>> -> memref<1x72xi32, #tpu.memory_space<vmem>>
      %dma_wait3A_95 = tpu.memref_squeeze %dma_wait3A_94 : memref<1x72xi32, #tpu.memory_space<vmem>> -> memref<72xi32, #tpu.memory_space<vmem>>
      %dma_wait3A_96 = arith.constant 0 : i32
      %dma_wait3A_97 = arith.constant 0 : i32
      %dma_wait3A_98 = tpu.memref_slice %arg3[%dma_wait3A_96, %dma_wait3A_97] : memref<100000x64xf32, #tpu.memory_space<hbm>> -> memref<100000x64xf32, #tpu.memory_space<hbm>>
      tpu.wait_indirect_dma semaphore(%arg12 : memref<!tpu.dma_semaphore, #tpu.memory_space<semaphore_mem>>) src(%dma_wait3A_98 : memref<100000x64xf32, #tpu.memory_space<hbm>>) dst(%arg9 : memref<72x64xf32, #tpu.memory_space<vmem>>)
      %broadcast_in_dim3A_99 = arith.constant 0.000000e+00 : f32
      %broadcast_in_dim3A_100 = vector.broadcast %broadcast_in_dim3A_99 : f32 to vector<16xf32>
      %broadcast_in_dim3A_101 = arith.constant 0.000000e+00 : f32
      %broadcast_in_dim3A_102 = vector.broadcast %broadcast_in_dim3A_101 : f32 to vector<16xf32>
      %broadcast_in_dim3A_103 = arith.constant 0.000000e+00 : f32
      %broadcast_in_dim3A_104 = vector.broadcast %broadcast_in_dim3A_103 : f32 to vector<16xf32>
      %broadcast_in_dim3A_105 = arith.constant 0.000000e+00 : f32
      %broadcast_in_dim3A_106 = vector.broadcast %broadcast_in_dim3A_105 : f32 to vector<16xf32>
      %scan3A_107 = arith.constant 0 : i32
      %scan3A_108 = arith.constant 128 : i32
      %scan3A_109 = arith.addi %scan3A_107, %scan3A_108 : i32
      %scan3A_110 = arith.constant 1 : i32
      %scan3A_111:4 = scf.for %scan3A_131 = %scan3A_107 to %scan3A_109 step %scan3A_110 iter_args(%scan3A_132 = %broadcast_in_dim3A_100, %scan3A_133 = %broadcast_in_dim3A_102, %scan3A_134 = %broadcast_in_dim3A_104, %scan3A_135 = %broadcast_in_dim3A_106) -> (vector<16xf32>, vector<16xf32>, vector<16xf32>, vector<16xf32>)  : i32 {
        %get3A = arith.index_cast %scan3A_131 : i32 to index
        %get3A_136 = arith.constant 0 : index
        %get3A_137 = tpu.vector_load %arg8[%get3A, %get3A_136] {strides = array<i32>} : memref<128x64xf32, #tpu.memory_space<vmem>>, vector<16xf32>,
        %add3A_138 = arith.addf %scan3A_132, %get3A_137 : vector<16xf32>
        %get3A_139 = arith.index_cast %scan3A_131 : i32 to index
        %get3A_140 = arith.constant 16 : index
        %get3A_141 = tpu.vector_load %arg8[%get3A_139, %get3A_140] {strides = array<i32>} : memref<128x64xf32, #tpu.memory_space<vmem>>, vector<16xf32>,
        %add3A_142 = arith.addf %scan3A_133, %get3A_141 : vector<16xf32>
        %get3A_143 = arith.index_cast %scan3A_131 : i32 to index
        %get3A_144 = arith.constant 32 : index
        %get3A_145 = tpu.vector_load %arg8[%get3A_143, %get3A_144] {strides = array<i32>} : memref<128x64xf32, #tpu.memory_space<vmem>>, vector<16xf32>,
        %add3A_146 = arith.addf %scan3A_134, %get3A_145 : vector<16xf32>
        %get3A_147 = arith.index_cast %scan3A_131 : i32 to index
        %get3A_148 = arith.constant 48 : index
        %get3A_149 = tpu.vector_load %arg8[%get3A_147, %get3A_148] {strides = array<i32>} : memref<128x64xf32, #tpu.memory_space<vmem>>, vector<16xf32>,
        %add3A_150 = arith.addf %scan3A_135, %get3A_149 : vector<16xf32>
        scf.yield %add3A_138, %add3A_142, %add3A_146, %add3A_150 : vector<16xf32>, vector<16xf32>, vector<16xf32>, vector<16xf32>
      }
      %scan3A_112 = arith.constant 128 : i32
      %scan3A_113 = arith.constant 0 : i32
      %scan3A_114 = arith.constant 72 : i32
      %scan3A_115 = arith.addi %scan3A_113, %scan3A_114 : i32
      %scan3A_116 = arith.constant 1 : i32
      %scan3A_117:4 = scf.for %scan3A_131 = %scan3A_113 to %scan3A_115 step %scan3A_116 iter_args(%scan3A_132 = %scan3A_111#0, %scan3A_133 = %scan3A_111#1, %scan3A_134 = %scan3A_111#2, %scan3A_135 = %scan3A_111#3) -> (vector<16xf32>, vector<16xf32>, vector<16xf32>, vector<16xf32>)  : i32 {
        %get3A = arith.index_cast %scan3A_131 : i32 to index
        %get3A_136 = arith.constant 0 : index
        %get3A_137 = tpu.vector_load %arg9[%get3A, %get3A_136] {strides = array<i32>} : memref<72x64xf32, #tpu.memory_space<vmem>>, vector<16xf32>,
        %add3A_138 = arith.addf %scan3A_132, %get3A_137 : vector<16xf32>
        %get3A_139 = arith.index_cast %scan3A_131 : i32 to index
        %get3A_140 = arith.constant 16 : index
        %get3A_141 = tpu.vector_load %arg9[%get3A_139, %get3A_140] {strides = array<i32>} : memref<72x64xf32, #tpu.memory_space<vmem>>, vector<16xf32>,
        %add3A_142 = arith.addf %scan3A_133, %get3A_141 : vector<16xf32>
        %get3A_143 = arith.index_cast %scan3A_131 : i32 to index
        %get3A_144 = arith.constant 32 : index
        %get3A_145 = tpu.vector_load %arg9[%get3A_143, %get3A_144] {strides = array<i32>} : memref<72x64xf32, #tpu.memory_space<vmem>>, vector<16xf32>,
        %add3A_146 = arith.addf %scan3A_134, %get3A_145 : vector<16xf32>
        %get3A_147 = arith.index_cast %scan3A_131 : i32 to index
        %get3A_148 = arith.constant 48 : index
        %get3A_149 = tpu.vector_load %arg9[%get3A_147, %get3A_148] {strides = array<i32>} : memref<72x64xf32, #tpu.memory_space<vmem>>, vector<16xf32>,
        %add3A_150 = arith.addf %scan3A_135, %get3A_149 : vector<16xf32>
        scf.yield %add3A_138, %add3A_142, %add3A_146, %add3A_150 : vector<16xf32>, vector<16xf32>, vector<16xf32>, vector<16xf32>
      }
      %scan3A_118 = arith.constant 72 : i32
      %swap3A_119 = arith.index_cast %add3A_27 : i32 to index
      %swap3A_120 = arith.constant 0 : index
      %swap3A_121 = tpu.vector_load %arg10[%swap3A_119, %swap3A_120] {strides = array<i32>} : memref<128x64xf32, #tpu.memory_space<vmem>>, vector<16xf32>,
      tpu.vector_store %arg10[%swap3A_119, %swap3A_120], %scan3A_117#0 {strides = array<i32>} : memref<128x64xf32, #tpu.memory_space<vmem>>, vector<16xf32>,
      %swap3A_122 = arith.index_cast %add3A_27 : i32 to index
      %swap3A_123 = arith.constant 16 : index
      %swap3A_124 = tpu.vector_load %arg10[%swap3A_122, %swap3A_123] {strides = array<i32>} : memref<128x64xf32, #tpu.memory_space<vmem>>, vector<16xf32>,
      tpu.vector_store %arg10[%swap3A_122, %swap3A_123], %scan3A_117#1 {strides = array<i32>} : memref<128x64xf32, #tpu.memory_space<vmem>>, vector<16xf32>,
      %swap3A_125 = arith.index_cast %add3A_27 : i32 to index
      %swap3A_126 = arith.constant 32 : index
      %swap3A_127 = tpu.vector_load %arg10[%swap3A_125, %swap3A_126] {strides = array<i32>} : memref<128x64xf32, #tpu.memory_space<vmem>>, vector<16xf32>,
      tpu.vector_store %arg10[%swap3A_125, %swap3A_126], %scan3A_117#2 {strides = array<i32>} : memref<128x64xf32, #tpu.memory_space<vmem>>, vector<16xf32>,
      %swap3A_128 = arith.index_cast %add3A_27 : i32 to index
      %swap3A_129 = arith.constant 48 : index
      %swap3A_130 = tpu.vector_load %arg10[%swap3A_128, %swap3A_129] {strides = array<i32>} : memref<128x64xf32, #tpu.memory_space<vmem>>, vector<16xf32>,
      tpu.vector_store %arg10[%swap3A_128, %swap3A_129], %scan3A_117#3 {strides = array<i32>} : memref<128x64xf32, #tpu.memory_space<vmem>>, vector<16xf32>,
    }
    %scan3A_20 = arith.constant 64 : i32
    %mul3A_21 = arith.constant 128 : i32
    %mul3A_22 = arith.muli %add3A, %mul3A_21 : i32
    "tpu.region"() ({
      %run_scoped3A = tpu.sem_alloc : memref<!tpu.dma_semaphore, #tpu.memory_space<semaphore_mem>>
      %dma_start3A_23 = arith.constant 0 : i32
      %dma_start3A_24 = tpu.memref_slice %arg4[%mul3A_22, %dma_start3A_23] : memref<4096x64xf32, #tpu.memory_space<hbm>> -> memref<128x64xf32, #tpu.memory_space<hbm>>
      %dma_start3A_25 = arith.constant 0 : i32
      %dma_start3A_26 = tpu.memref_slice %arg4[%mul3A_22, %dma_start3A_25] : memref<4096x64xf32, #tpu.memory_space<hbm>> -> memref<128x64xf32, #tpu.memory_space<hbm>>
      tpu.enqueue_dma source(%arg10 : memref<128x64xf32, #tpu.memory_space<vmem>>) target(%dma_start3A_26 : memref<128x64xf32, #tpu.memory_space<hbm>>) target_semaphore(%run_scoped3A : memref<!tpu.dma_semaphore, #tpu.memory_space<semaphore_mem>>)
      %dma_wait3A = arith.constant 0 : i32
      %dma_wait3A_27 = tpu.memref_slice %arg4[%mul3A_22, %dma_wait3A] : memref<4096x64xf32, #tpu.memory_space<hbm>> -> memref<128x64xf32, #tpu.memory_space<hbm>>
      %dma_wait3A_28 = arith.constant 0 : i32
      %dma_wait3A_29 = tpu.memref_slice %arg4[%mul3A_22, %dma_wait3A_28] : memref<4096x64xf32, #tpu.memory_space<hbm>> -> memref<128x64xf32, #tpu.memory_space<hbm>>
      tpu.wait_dma2 semaphore(%run_scoped3A : memref<!tpu.dma_semaphore, #tpu.memory_space<semaphore_mem>>) src(%arg10 : memref<128x64xf32, #tpu.memory_space<vmem>>) dst(%dma_wait3A_29 : memref<128x64xf32, #tpu.memory_space<hbm>>)
      tpu.yield
    }) : () -> ()
    return
  }
}

module attributes {stable_mosaic.version = 14 : i64} {
  func.func @body(%arg0: memref<4096x64xf32, #tpu.memory_space<vmem>>, %arg1: memref<64x256xf32, #tpu.memory_space<vmem>>, %arg2: memref<256xf32, #tpu.memory_space<vmem>>, %arg3: memref<256x256xf32, #tpu.memory_space<vmem>>, %arg4: memref<256xf32, #tpu.memory_space<vmem>>, %arg5: memref<256x5xf32, #tpu.memory_space<vmem>>, %arg6: memref<5xf32, #tpu.memory_space<vmem>>, %arg7: memref<4096x5xf32, #tpu.memory_space<vmem>>) attributes {dimension_semantics = [], scalar_prefetch = 0 : i64, scratch_operands = 0 : i64, tpu.core_type = #tpu.core_type<tc>} {
    %get3A = arith.constant 0 : index
    %get3A_0 = arith.constant 0 : index
    %get3A_1 = vector.load %arg0[%get3A, %get3A_0] : memref<4096x64xf32, #tpu.memory_space<vmem>>, vector<4096x64xf32>
    %mul3A = arith.constant 5.000000e-03 : f32
    %mul3A_2 = vector.broadcast %mul3A : f32 to vector<4096x64xf32>
    %mul3A_3 = arith.mulf %get3A_1, %mul3A_2 : vector<4096x64xf32>
    %get3A_4 = arith.constant 0 : index
    %get3A_5 = arith.constant 0 : index
    %get3A_6 = vector.load %arg1[%get3A_4, %get3A_5] : memref<64x256xf32, #tpu.memory_space<vmem>>, vector<64x256xf32>
    %dot_general3A = arith.constant dense<0.000000e+00> : vector<4096x256xf32>
    %dot_general3A_7 = tpu.matmul %mul3A_3, %get3A_6, %dot_general3A {dimension_numbers = #tpu.dot_dimension_numbers<[1], [0], [0], [1], [0, 0, 1, 1], [], []>, transpose_lhs_hint = false} : vector<4096x64xf32>, vector<64x256xf32>, vector<4096x256xf32> -> vector<4096x256xf32>
    %get3A_8 = arith.constant 0 : index
    %get3A_9 = vector.load %arg2[%get3A_8] : memref<256xf32, #tpu.memory_space<vmem>>, vector<256xf32>
    %broadcast_in_dim3A = vector.shape_cast %get3A_9 : vector<256xf32> to vector<1x256xf32>
    %add3A = vector.broadcast %broadcast_in_dim3A : vector<1x256xf32> to vector<4096x256xf32>
    %add3A_10 = arith.addf %dot_general3A_7, %add3A : vector<4096x256xf32>
    %max3A = arith.constant 0.000000e+00 : f32
    %max3A_11 = vector.broadcast %max3A : f32 to vector<4096x256xf32>
    %max3A_12 = arith.maximumf %add3A_10, %max3A_11 : vector<4096x256xf32>
    %get3A_13 = arith.constant 0 : index
    %get3A_14 = arith.constant 0 : index
    %get3A_15 = vector.load %arg3[%get3A_13, %get3A_14] : memref<256x256xf32, #tpu.memory_space<vmem>>, vector<256x256xf32>
    %dot_general3A_16 = arith.constant dense<0.000000e+00> : vector<4096x256xf32>
    %dot_general3A_17 = tpu.matmul %max3A_12, %get3A_15, %dot_general3A_16 {dimension_numbers = #tpu.dot_dimension_numbers<[1], [0], [0], [1], [0, 0, 1, 1], [], []>, transpose_lhs_hint = false} : vector<4096x256xf32>, vector<256x256xf32>, vector<4096x256xf32> -> vector<4096x256xf32>
    %get3A_18 = arith.constant 0 : index
    %get3A_19 = vector.load %arg4[%get3A_18] : memref<256xf32, #tpu.memory_space<vmem>>, vector<256xf32>
    %broadcast_in_dim3A_20 = vector.shape_cast %get3A_19 : vector<256xf32> to vector<1x256xf32>
    %add3A_21 = vector.broadcast %broadcast_in_dim3A_20 : vector<1x256xf32> to vector<4096x256xf32>
    %add3A_22 = arith.addf %dot_general3A_17, %add3A_21 : vector<4096x256xf32>
    %max3A_23 = arith.constant 0.000000e+00 : f32
    %max3A_24 = vector.broadcast %max3A_23 : f32 to vector<4096x256xf32>
    %max3A_25 = arith.maximumf %add3A_22, %max3A_24 : vector<4096x256xf32>
    %get3A_26 = arith.constant 0 : index
    %get3A_27 = arith.constant 0 : index
    %get3A_28 = vector.load %arg5[%get3A_26, %get3A_27] : memref<256x5xf32, #tpu.memory_space<vmem>>, vector<256x5xf32>
    %dot_general3A_29 = arith.constant dense<0.000000e+00> : vector<4096x5xf32>
    %dot_general3A_30 = tpu.matmul %max3A_25, %get3A_28, %dot_general3A_29 {dimension_numbers = #tpu.dot_dimension_numbers<[1], [0], [0], [1], [0, 0, 1, 1], [], []>, transpose_lhs_hint = false} : vector<4096x256xf32>, vector<256x5xf32>, vector<4096x5xf32> -> vector<4096x5xf32>
    %get3A_31 = arith.constant 0 : index
    %get3A_32 = vector.load %arg6[%get3A_31] : memref<5xf32, #tpu.memory_space<vmem>>, vector<5xf32>
    %broadcast_in_dim3A_33 = vector.shape_cast %get3A_32 : vector<5xf32> to vector<1x5xf32>
    %add3A_34 = vector.broadcast %broadcast_in_dim3A_33 : vector<1x5xf32> to vector<4096x5xf32>
    %add3A_35 = arith.addf %dot_general3A_30, %add3A_34 : vector<4096x5xf32>
    %swap3A = arith.constant 0 : index
    %swap3A_36 = arith.constant 0 : index
    %swap3A_37 = vector.load %arg7[%swap3A, %swap3A_36] : memref<4096x5xf32, #tpu.memory_space<vmem>>, vector<4096x5xf32>
    tpu.vector_store %arg7[%swap3A, %swap3A_36], %add3A_35 {strides = array<i32>} : memref<4096x5xf32, #tpu.memory_space<vmem>>, vector<4096x5xf32>,
    return
  }
}

</mosaic_0001>

<sc_bundles>
// kernel: kernel.4.cloned.1.call-start
scs
__scs_entry_jumppad:
0x0: {  	(pc) =	sbr.rel $0x88, $3  }
0x1: {  	(tag) =	ssettag $0x0;
	lr =	simm.s32 $0x1  }
0x2: {  	[smem:$0x3F99] =	sst lr;
	_ =	strace $0xD0000000  }
0x3: {  	_ = 	snop  }
0x4: {  	_ = 	snop  }
0x5: {  	_ = 	snop  }
0x6: {  	_ = 	snop  }
0x7: {  	_ = 	snop  }
__scs_overlays_trampoline_lowered:
0x8: {  	[smem:$0x3FA8] =	sst s0  }
0x9: {  	[smem:$0x3FA9] =	sst s1  }
0xa: {  	[smem:$0x3FAA] =	sst s2  }
0xb: {  	[smem:$0x3FAB] =	sst s3  }
0xc: {  	[smem:$0x3FAC] =	sst s4  }
0xd: {  	[smem:$0x3FAD] =	sst s5  }
0xe: {  	[smem:$0x3FAE] =	sst s6  }
0xf: {  	[smem:$0x3FAF] =	sst s7  }
0x10: {  	[smem:$0x3FB0] =	sst s8  }
0x11: {  	[smem:$0x3FB1] =	sst s9;
	s0 =	simm.s32 @!p0 $0x0  }
0x12: {  	s1 =	sld [smem:$0x3F97];
	s0 =	simm.s32 @p0 $0x1  }
0x13: {  	[smem:$0x3FB2] =	sst s0;
	s0 =	simm.s32 @!p1 $0x0  }
0x14: {  	s2 =	sld [smem:$0x3F96];
	s0 =	simm.s32 @p1 $0x1  }
0x15: {  	[smem:$0x3FB3] =	sst s0;
	s0 =	simm.s32 @!p2 $0x0  }
0x16: {  	s3 =	sld [smem:$0x3FDB];
	s0 =	simm.s32 @p2 $0x1  }
0x17: {  	s4 =	simm.s32 $0x1BF5;
	[smem:$0x3FB5] =	sst s0  }
0x18: {  	s0 =	sld [smem:$0x3F98];
	_ =	swait.ge [sflag:s4], $0x0  }
0x19: {  	s7 =	sld [smem:$0x3F99]  }
0x1a: {  	s8 =	sadd.s32 $0xFFFFE003, lr  }
0x1b: {  	s9 =	sadd.s32 $0xFFFFFEF7, lr;
	s5 =	simm.s32 $0xFFFFFFFF;
	p2 =	slt.u32 s8, $0xFFFFF086  }
0x1c: {  	p1 =	slt.u32 s9, $0xF7A;
	s5 =	simm.s32 @!p2 $0x0  }
0x1d: {  	s5 =	simm.s32 @p1 $0x1;
	p0 =	seq.s32 s7, s2  }
0x1e: {  	s7 =	smul.u32 @!p0 $0xF7A, s2;
	p2 =	seq.s32 @!p0 s5, $0x0  }
0x1f: {  	s9 =	smul.u32 $0xF7A, s1;
	s8 =	simm.s32 @!p0 $0x1BF5;
	p2 =	por !p2, p0  }
0x20: {  	[sflag:s8] =	ssyncset.s32 @!p0 $0xFFFFF086;
	s6 =	sadd.s32 @!p0 s3, s7;
	s7 =	simm.s32 @!p0 $0x108  }
0x21: {  	s3 =	sadd.s32 s3, s9;
	s6 =	sadd.s32 @!p0 $0x88, s6;
	s7 =	simm.s32 @p2 $0x1082  }
0x22: {  	[simem:s7], [sflag:s8] =	dma.local @!p0 [hbm:s6], $0xF7A  }
0x23: {  	s9 =	sor.u32 $0xD0000000, s2;
	s6 =	simm.s32 $0x108;
	_ =	swait.ge @!p0 [sflag:s8], $0x0  }
0x24: {  	s3 =	sadd.s32 $0x88, s3;
	s6 =	simm.s32 @!p1 $0x1082;
	[sflag:s4] =	ssyncset.s32 $0xFFFFF086  }
0x25: {  	[simem:s6], [sflag:s4] =	dma.local [hbm:s3], $0xF7A  }
0x26: {  	[smem:$0x3F99] =	sst s1;
	(tag) =	ssettag s2;
	_ =	strace s9  }
0x27: {  	s1 =	sld [smem:$0x3FA9]  }
0x28: {  	s2 =	sld [smem:$0x3FAA]  }
0x29: {  	s4 =	sld [smem:$0x3FAC]  }
0x2a: {  	p0 =	seq.s32 s5, $0x0;
	s5 =	sld [smem:$0x3FAD]  }
0x2b: {  	s6 =	sld [smem:$0x3FAE]  }
0x2c: {  	s7 =	sld [smem:$0x3FAF]  }
0x2d: {  	s3 =	simm.s32 $0x108;
	s8 =	sld [smem:$0x3FB0]  }
0x2e: {  	s3 =	simm.s32 @!p0 $0x1082;
	s9 =	sld [smem:$0x3FB1]  }
0x2f: {  	lr =	sadd.s32 s0, s3;
	s0 =	sld [smem:$0x3FA8]  }
0x30: {  	s3 =	sld [smem:$0x3FAB]  }
0x31: {  	[smem:$0x3FB4] =	sst s10  }
0x32: {  	s10 =	sld [smem:$0x3FB2];
	_ =	sdelay $0x3  }
0x33: {  	p0 =	seq.s32 s10, $0x1;
	s10 =	sld [smem:$0x3FB4];
	_ =	sdelay $0x3  }
0x34: {  	[smem:$0x3FB4] =	sst s10  }
0x35: {  	s10 =	sld [smem:$0x3FB3];
	_ =	sdelay $0x3  }
0x36: {  	p1 =	seq.s32 s10, $0x1;
	s10 =	sld [smem:$0x3FB4];
	_ =	sdelay $0x3  }
0x37: {  	[smem:$0x3FB4] =	sst s10  }
0x38: {  	s10 =	sld [smem:$0x3FB5]  }
0x39: {  	_ = 	snop;
	(pc) =	sbr.ind lr, $3  }
0x3a: {  	_ = 	snop  }
0x3b: {  	_ = 	snop  }
0x3c: {  	p2 =	seq.s32 s10, $0x1;
	s10 =	sld [smem:$0x3FB4]  }
0x3d: {  	_ =	shalt  }
0x3e: {  	_ =	shalt  }
0x3f: {  	_ =	shalt  }
0x40: {  	_ =	shalt  }
0x41: {  	_ =	shalt  }
0x42: {  	_ =	shalt  }
0x43: {  	_ =	shalt  }
0x44: {  	_ =	shalt  }
0x45: {  	_ =	shalt  }
0x46: {  	_ =	shalt  }
0x47: {  	_ =	shalt  }
0x48: {  	_ =	shalt  }
0x49: {  	_ =	shalt  }
0x4a: {  	_ =	shalt  }
0x4b: {  	_ =	shalt  }
0x4c: {  	_ =	shalt  }
0x4d: {  	_ =	shalt  }
0x4e: {  	_ =	shalt  }
0x4f: {  	_ =	shalt  }
0x50: {  	_ =	shalt  }
0x51: {  	_ =	shalt  }
0x52: {  	_ =	shalt  }
0x53: {  	_ =	shalt  }
0x54: {  	_ =	shalt  }
0x55: {  	_ =	shalt  }
0x56: {  	_ =	shalt  }
0x57: {  	_ =	shalt  }
0x58: {  	_ =	shalt  }
0x59: {  	_ =	shalt  }
0x5a: {  	_ =	shalt  }
0x5b: {  	_ =	shalt  }
0x5c: {  	_ =	shalt  }
0x5d: {  	_ =	shalt  }
0x5e: {  	_ =	shalt  }
0x5f: {  	_ =	shalt  }
0x60: {  	_ =	shalt  }
0x61: {  	_ =	shalt  }
0x62: {  	_ =	shalt  }
0x63: {  	_ =	shalt  }
0x64: {  	_ =	shalt  }
0x65: {  	_ =	shalt  }
0x66: {  	_ =	shalt  }
0x67: {  	_ =	shalt  }
0x68: {  	_ =	shalt  }
0x69: {  	_ =	shalt  }
0x6a: {  	_ =	shalt  }
0x6b: {  	_ =	shalt  }
0x6c: {  	_ =	shalt  }
0x6d: {  	_ =	shalt  }
0x6e: {  	_ =	shalt  }
0x6f: {  	_ =	shalt  }
0x70: {  	_ =	shalt  }
0x71: {  	_ =	shalt  }
0x72: {  	_ =	shalt  }
0x73: {  	_ =	shalt  }
0x74: {  	_ =	shalt  }
0x75: {  	_ =	shalt  }
0x76: {  	_ =	shalt  }
0x77: {  	_ =	shalt  }
0x78: {  	_ =	shalt  }
0x79: {  	_ =	shalt  }
0x7a: {  	_ =	shalt  }
0x7b: {  	_ =	shalt  }
0x7c: {  	_ =	shalt  }
0x7d: {  	_ =	shalt  }
0x7e: {  	_ =	shalt  }
0x7f: {  	_ =	shalt  }
0x80: {  	_ =	shalt  }
0x81: {  	_ =	shalt  }
0x82: {  	_ =	shalt  }
0x83: {  	_ =	shalt  }
0x84: {  	_ =	shalt  }
0x85: {  	_ =	shalt  }
0x86: {  	_ =	shalt  }
0x87: {  	_ =	shalt  }
.Lfunc_end0:
.L_simem_size_0:
called_computation_lowered:
.L_overlay_start_0:
0x88: {  	s2 =	sld [smem:$0x3FD9]  }
0x89: {  	s3 =	sld [smem:$0x3FFE];
	_ =	sdelay $0x1  }
0x8a: {  	s1 =	srdreg.scid  }
0x8b: {  	s0 =	sand.u32 $0x1, s1  }
0x8c: {  	s16 =	sshll.u32 s0, $0xA;
	s2 =	sadd.s32 s3, s2  }
0x8d: {  	s2 =	sadd.s32 s2, s16  }
0x8e: {  	[smem:$0x3FC0] =	sst s2  }
0x8f: {  	_ = 	snop  }
0x90: {  	(tm) =	ssettm $0x1  }
0x91: {  	s17 =	sld [smem:$0x3FFB];
	_ =	sdelay $0x3  }
0x92: {  	_ =	strace s17  }
0x93: {  	s2 =	sld [smem:$0x3FFC];
	_ =	sdelay $0x3  }
0x94: {  	_ =	strace s2  }
0x95: {  	s2 =	sld [smem:$0x3FFD];
	_ =	sdelay $0x3  }
0x96: {  	_ =	strace s2  }
0x97: {  	_ =	strace $0x8FFFFFFF  }
0x98: {  	s18 =	sld [smem:$0x3FDB];
	_ =	sdelay $0x1  }
0x99: {  	s19 =	simm.s32 $_scs_section_size  }
0x9a: {  	s4 =	simm.s32 $_size__tile_overlayer_lowered;
	s5 =	simm.s32 $_tile_overlayer_lowered  }
0x9b: {  	s22 =	simm.s32 $0x1BFF;
	s21 =	sshll.u32 s5, $0x1;
	s2 =	sadd.s32 s19, s18  }
0x9c: {  	s6 =	simm.s32 $0x0;
	s20 =	sshll.u32 s4, $0x1;
	s4 =	sadd.s32 s21, s2  }
0x9d: {  	[timem:s6], [sflag:s22] =	dma.local [hbm:s4], s20  }
0x9e: {  	_ =	swait.ge [sflag:s22], s20  }
0x9f: {  	s3 =	ssub.s32 $0x0, s20;
	[sflag:s22] =	ssyncset.done $0x0  }
0xa0: {  	[sflag:s22] =	ssyncadd.s32 s3;
	_ =	sdelay $0x1  }
0xa1: {  	s23 =	simm.s32 $0x1B8B  }
0xa2: {  	_ =	swait.ge [sflag:s23], $0x1  }
0xa3: {  	[sflag:s23] =	ssyncset.done $0x0  }
0xa4: {  	s25 =	simm.s32 $0x1B8E;
	s24 =	sld [smem:$0x3FFE];
	[sflag:s23] =	ssyncadd.s32 $0xFFFFFFFF  }
0xa5: {  	s26 =	simm.s32 $execute0_lowered;
	[smem:$0x3FD2] =	sst s25  }
0xa6: {  	s4 =	sshll.u32 s26, $0x1;
	_ =	strace $0x80000046;
	[dreg:$0x1] =	wrdreg $0xFFFFFFFF  }
0xa7: {  	s28 =	simm.s32 $_size_execute0_lowered;
	s2 =	sadd.s32 s2, s4;
	[dreg:$0x0] =	wrdreg $0x0  }
0xa8: {  	s4 =	sshll.u32 s28, $0x1;
	[dreg:$0x2] =	wrdreg s2  }
0xa9: {  	[dreg:$0x3] =	wrdreg s4  }
0xaa: {  	[dreg:$0x4] =	wrdreg $0xC0  }
0xab: {  	_ =	task [dreg:s6], $0x5FFFF  }
0xac: {  	[dreg:$0x1] =	wrdreg $0xFFFFFFFF  }
0xad: {  	[dreg:$0x0] =	wrdreg $0x60  }
0xae: {  	[dreg:$0x2] =	wrdreg s24  }
0xaf: {  	[dreg:$0x3] =	wrdreg $0x9  }
0xb0: {  	_ =	task.clear_ibuf [dreg:s6], $0x4FFFF;
	_ =	strace $0x90000046  }
0xb1: {  	s29 =	simm.s32 $0x9;
	_ =	strace $0x80000048  }
0xb2: {  	_ =	swait.ge [sflag:s29], $0x1  }
0xb3: {  	[sflag:s29] =	ssyncadd.s32 $0xFFFFFFFF  }
0xb4: {  	_ =	strace $0x90000048  }
0xb5: {  	_ =	sfence  }
0xb6: {  	s30 =	sld [smem:$0x0];
	_ =	sdelay $0x2  }
0xb7: {  	s31 =	sshll.u32 s1, $0xD;
	s1 =	sshrl.u32 s1, $0x2  }
0xb8: {  	s3 =	sand.u32 $0x4000, s31;
	s1 =	sadd.s32 s1, s30  }
0xb9: {  	s0 =	sor.u32 s3, s0;
	s1 =	sshll.u32 s1, $0x11  }
0xba: {  	s0 =	sor.u32 s1, s0  }
0xbb: {  	s0 =	sadd.s32 $0x8F2B, s0  }
0xbc: {  	[sflag:s0] =	ssyncadd.remote.s32 $0x1  }
0xbd: {  	_ =	sfence.sel $0xFFFF  }
0xbe: {  	[dreg:$0x0] =	wrdreg $0xFFFFFFFF;
	(pc) =	sbr.abs _section_cstart, $3  }
0xbf: {  	[dreg:$0x1] =	wrdreg $0xFFFFFFFF  }
0xc0: {  	_ =	task.clear_ibuf [dreg:s6], $0x2FFFF;
	_ =	strace $0x9FFFFFFF  }
0xc1: {  	(tm) =	ssettm $0x7FFFFFFF  }
tec
execute0_lowered:
.L_overlay_start_1:
0x0: {  	(tag) =	ssettag $0x1  }
0x1: {  	s1 =	srdreg.scid  }
0x2: {  	s0 =	stileid.u32;
	s4 =	rddreg [dreg:$0x0]  }
0x3: {  	s2 =	simm.s32 $0x0;
	s8 =	simm.s32 $0x80;
	s9 =	simm.s32 $0x6400  }
0x4: {  	s10 =	simm.s32 $0x48;
	s11 =	simm.s32 $0x8400;
	s12 =	simm.s32 $0x9600  }
0x5: {  	s13 =	simm.s32 $0xB600;
	s14 =	simm.s32 $0x1;
	s15 =	simm.s32 $0x2  }
0x6: {  	s16 =	simm.s32 $0xC800;
	s17 =	simm.s32 $0x0;
	s3 =	sand.u32 $0x1, s1  }
0x7: {  	s5 =	sshll.u32 s0, $0x8;
	[smem:$0x7FF] =	sst s2;
	s6 =	sshll.u32 s3, $0x7  }
0x8: {  	s1 =	rddreg [dreg:$0x1];
	_ =	strace $0x80000047;
	s5 =	sor.u32 s6, s5  }
0x9: {  	s7 =	ssub.s32 $0x2, s3;
	s6 =	smul.u32 $0x19, s5;
	s5 =	sshll.u32 s5, $0x3  }
0xa: {  	s3 =	sadd.s32 $0x187C00, s4;
	s31 =	sshrl.u32 s7, $0x1;
	s5 =	sadd.s32 s5, s4  }
0xb: {  	s7 =	ssub.s32 s7, s31;
	s6 =	sadd.s32 s6, s4;
	s5 =	sadd.s32 $0x1A200, s5  }
0xc: {  	s4 =	sadd.s32 $0x1200, s6;
	s6 =	smax.u32 s7, $0x1;
	s7 =	simm.s32 $0x3  }
.LBB2_1:
0xd: {  	[tilespmem:s2], [sflag:$0x3] =	stream.linear.gather [hbm4b:s4+s2], $0x6400, $0x38;
	[tilespmem:$0xE800] =	vst v63  }
0xe: {  	_ =	swait.ge [sflag:s7], $0x6400  }
0xf: {  	[sflag:s7] =	ssyncset.done $0x0  }
0x10: {  	[sflag:s7] =	ssyncadd.s32 $0xFFFF9C00  }
0x11: {  	[tilespmem:s9], [sflag:$0x1] =	stream.indirect.gather [hbm4b:s3+s8], $0x40, s2, s8, $0xb8;
	[tilespmem:$0xE800] =	vst v63  }
0x12: {  	s18 =	simm.s32 $0x0  }
0x13: {  	[tilespmem:s11], [sflag:$0x1] =	stream.indirect.gather [hbm4b:s3+s10], $0x40, s8, s10, $0xb8;
	[tilespmem:$0xE800] =	vst v63  }
.LBB2_2:
0x14: {  	s19 =	sshllo.u32 s18, $0x1  }
0x15: {  	s20 =	smul.u32 $0x320, s19;
	_ =	sdelay $0x1  }
0x16: {  	s20 =	sshra.s32 s20, $0x2  }
0x17: {  	[tilespmem:s12], [sflag:$0x2] =	stream.indirect.gather [hbm4b:s3+s8], $0x40, s20, s8, $0xb8;
	[tilespmem:$0xE800] =	vst v63  }
0x18: {  	s20 =	sadd.s32 $0x80, s20  }
0x19: {  	[tilespmem:s13], [sflag:$0x2] =	stream.indirect.gather [hbm4b:s3+s10], $0x40, s20, s10, $0xb8;
	[tilespmem:$0xE800] =	vst v63  }
0x1a: {  	_ =	swait.ge [sflag:s14], $0x2000  }
0x1b: {  	[sflag:s14] =	ssyncset.done $0x0  }
0x1c: {  	[sflag:s14] =	ssyncadd.s32 $0xFFFFE000  }
0x1d: {  	_ =	swait.ge [sflag:s14], $0x1200  }
0x1e: {  	[sflag:s14] =	ssyncset.done $0x0  }
0x1f: {  	s20 =	simm.s32 $0x0;
	[sflag:s14] =	ssyncadd.s32 $0xFFFFEE00  }
0x20: {  	v2 =	vld [tilespmem:s20+$0x6430]  }
0x21: {  	v3 =	vld [tilespmem:s20+$0x6400]  }
0x22: {  	v0 =	vimm.f32 $0.0e+00;
	v4 =	vld [tilespmem:s20+$0x6410]  }
0x23: {  	s21 =	simm.s32 $0x100;
	v8 =	vimm.f32 $0.0e+00;
	v6 =	vimm.f32 $0.0e+00;
	v7 =	vimm.f32 $0.0e+00;
	v5 =	vld [tilespmem:s20+$0x6420]  }
.LBB2_3:
0x24: {  	p0 =	sne.s32 s21, $0x7F00  }
.Ltmp0:
0x25: {  	s22 =	sshra.s32 s21, $0x2;
	s21 =	sadd.s32 $0x100, s21;
	v0 =	vadd.f32 v2, v0;
	(pc) =	sbr.rel @p0 .LBB2_3-.Ltmp0, $4  }
0x26: {  	v2 =	vld [tilespmem:s22+$0x6430];
	v8 =	vadd.f32 v3, v8  }
0x27: {  	v3 =	vld [tilespmem:s22+$0x6400];
	v6 =	vadd.f32 v4, v6  }
0x28: {  	v4 =	vld [tilespmem:s22+$0x6410];
	v7 =	vadd.f32 v5, v7  }
0x29: {  	v5 =	vld [tilespmem:s22+$0x6420]  }
0x2a: {  	_ = 	snop  }
0x2b: {  	v1 =	vld [tilespmem:s20+$0x8430]  }
0x2c: {  	v9 =	vld [tilespmem:s20+$0x8400]  }
0x2d: {  	v0 =	vadd.f32 v2, v0;
	v3 =	vadd.f32 v3, v8;
	v8 =	vld [tilespmem:s20+$0x8410]  }
0x2e: {  	s21 =	simm.s32 $0x100;
	v4 =	vadd.f32 v4, v6;
	v2 =	vadd.f32 v5, v7;
	v5 =	vld [tilespmem:s20+$0x8420]  }
.LBB2_5:
0x2f: {  	p0 =	sne.s32 s21, $0x4700  }
.Ltmp1:
0x30: {  	s20 =	sshra.s32 s21, $0x2;
	s21 =	sadd.s32 $0x100, s21;
	v0 =	vadd.f32 v1, v0;
	(pc) =	sbr.rel @p0 .LBB2_5-.Ltmp1, $4  }
0x31: {  	v1 =	vld [tilespmem:s20+$0x8430];
	v3 =	vadd.f32 v9, v3  }
0x32: {  	v9 =	vld [tilespmem:s20+$0x8400];
	v4 =	vadd.f32 v8, v4  }
0x33: {  	v8 =	vld [tilespmem:s20+$0x8410];
	v2 =	vadd.f32 v5, v2  }
0x34: {  	v5 =	vld [tilespmem:s20+$0x8420]  }
0x35: {  	_ = 	snop  }
0x36: {  	s20 =	sshll.u32 s18, $0x7;
	v0 =	vadd.f32 v1, v0  }
0x37: {  	p0 =	seq.s32 s18, $0x3F;
	s20 =	sand.u32 $0x3FFFFF80, s20;
	v3 =	vadd.f32 v9, v3  }
0x38: {  	s21 =	smul.u32 @!p0 $0x640, s18;
	v4 =	vadd.f32 v8, v4;
	[tilespmem:s20+$0xC830] =	vst v0  }
0x39: {  	v2 =	vadd.f32 v5, v2;
	[tilespmem:s20+$0xC800] =	vst v3  }
0x3a: {  	s21 =	sshra.s32 @!p0 s21, $0x2;
	[tilespmem:s20+$0xC810] =	vst v4  }
0x3b: {  	s22 =	simm.s32 @!p0 $0x80;
	s23 =	simm.s32 @!p0 $0x6400;
	[tilespmem:s20+$0xC820] =	vst v2;
	s20 =	sadd.s32 @!p0 $0x190, s21  }
0x3c: {  	[tilespmem:s23], [sflag:$0x1] =	stream.indirect.gather @!p0 [hbm4b:s3+s22], $0x40, s20, s22, $0xb8;
	[tilespmem:$0xE800] =	vst v63  }
0x3d: {  	s20 =	sadd.s32 @!p0 $0x210, s21;
	s21 =	simm.s32 @!p0 $0x48;
	s22 =	simm.s32 @!p0 $0x8400  }
0x3e: {  	[tilespmem:s22], [sflag:$0x1] =	stream.indirect.gather @!p0 [hbm4b:s3+s21], $0x40, s20, s21, $0xb8;
	[tilespmem:$0xE800] =	vst v63  }
0x3f: {  	_ =	swait.ge [sflag:s15], $0x2000  }
0x40: {  	[sflag:s15] =	ssyncset.done $0x0  }
0x41: {  	[sflag:s15] =	ssyncadd.s32 $0xFFFFE000  }
0x42: {  	_ =	swait.ge [sflag:s15], $0x1200  }
0x43: {  	[sflag:s15] =	ssyncset.done $0x0  }
0x44: {  	s20 =	simm.s32 $0x0;
	[sflag:s15] =	ssyncadd.s32 $0xFFFFEE00  }
0x45: {  	v2 =	vld [tilespmem:s20+$0x9630]  }
0x46: {  	v3 =	vld [tilespmem:s20+$0x9600]  }
0x47: {  	v6 =	vimm.f32 $0.0e+00;
	v4 =	vld [tilespmem:s20+$0x9610]  }
0x48: {  	v7 =	vimm.f32 $0.0e+00;
	v0 =	vimm.f32 $0.0e+00;
	v8 =	vimm.f32 $0.0e+00;
	s21 =	simm.s32 $0x100;
	v5 =	vld [tilespmem:s20+$0x9620]  }
.LBB2_7:
0x49: {  	p0 =	sne.s32 s21, $0x7F00  }
.Ltmp2:
0x4a: {  	s22 =	sshra.s32 s21, $0x2;
	s21 =	sadd.s32 $0x100, s21;
	v0 =	vadd.f32 v2, v0;
	(pc) =	sbr.rel @p0 .LBB2_7-.Ltmp2, $4  }
0x4b: {  	v2 =	vld [tilespmem:s22+$0x9630];
	v8 =	vadd.f32 v3, v8  }
0x4c: {  	v3 =	vld [tilespmem:s22+$0x9600];
	v6 =	vadd.f32 v4, v6  }
0x4d: {  	v4 =	vld [tilespmem:s22+$0x9610];
	v7 =	vadd.f32 v5, v7  }
0x4e: {  	v5 =	vld [tilespmem:s22+$0x9620]  }
0x4f: {  	_ = 	snop  }
0x50: {  	v1 =	vld [tilespmem:s20+$0xB630]  }
0x51: {  	v9 =	vld [tilespmem:s20+$0xB600]  }
0x52: {  	v0 =	vadd.f32 v2, v0;
	v3 =	vadd.f32 v3, v8;
	v8 =	vld [tilespmem:s20+$0xB610]  }
0x53: {  	s21 =	simm.s32 $0x100;
	v4 =	vadd.f32 v4, v6;
	v2 =	vadd.f32 v5, v7;
	v5 =	vld [tilespmem:s20+$0xB620]  }
.LBB2_9:
0x54: {  	p0 =	sne.s32 s21, $0x4700  }
.Ltmp3:
0x55: {  	s20 =	sshra.s32 s21, $0x2;
	s21 =	sadd.s32 $0x100, s21;
	v0 =	vadd.f32 v1, v0;
	(pc) =	sbr.rel @p0 .LBB2_9-.Ltmp3, $4  }
0x56: {  	v1 =	vld [tilespmem:s20+$0xB630];
	v3 =	vadd.f32 v9, v3  }
0x57: {  	v9 =	vld [tilespmem:s20+$0xB600];
	v4 =	vadd.f32 v8, v4  }
0x58: {  	v8 =	vld [tilespmem:s20+$0xB610];
	v2 =	vadd.f32 v5, v2  }
0x59: {  	v5 =	vld [tilespmem:s20+$0xB620]  }
0x5a: {  	s18 =	sadd.s32 $0x1, s18  }
0x5b: {  	s19 =	sshll.u32 s19, $0x6;
	v0 =	vadd.f32 v1, v0;
	p0 =	sne.s32 s18, $0x40  }
.Ltmp4:
0x5c: {  	s19 =	sand.u32 $0x3FFFFFC0, s19;
	v3 =	vadd.f32 v9, v3;
	(pc) =	sbr.rel @p0 .LBB2_2-.Ltmp4, $4  }
0x5d: {  	v4 =	vadd.f32 v8, v4;
	[tilespmem:s19+$0xC830] =	vst v0  }
0x5e: {  	v2 =	vadd.f32 v5, v2;
	[tilespmem:s19+$0xC800] =	vst v3  }
0x5f: {  	[tilespmem:s19+$0xC810] =	vst v4  }
0x60: {  	[tilespmem:s19+$0xC820] =	vst v2  }
0x61: {  	s17 =	sadd.s32 $0x1, s17  }
0x62: {  	p0 =	sne.s32 s17, s6  }
.Ltmp5:
0x63: {  	_ = 	snop;
	(pc) =	sbr.rel @p0 .LBB2_1-.Ltmp5, $4  }
0x64: {  	[hbm4b:s5+s2] =	stream.linear.scatter [tilespmem:s16], [sflag:$0x3], $0x2000, $0x38;
	[tilespmem:$0xE800] =	vst v63  }
0x65: {  	_ =	swait.ge [sflag:s7], $0x2000  }
0x66: {  	[sflag:s7] =	ssyncset.done $0x0  }
0x67: {  	[sflag:s7] =	ssyncadd.s32 $0xFFFFE000  }
0x68: {  	_ =	sfence.sel $0x180000  }
0x69: {  	[bflag:$0x0] =	sbarrier.arrive $0xFFFF  }
0x6a: {  	p0 =	sne.s32 s0, $0x0;
	_ =	strace $0x90000047  }
0x6b: {  	s0 =	sadd.s32 @!p0 $0x100000, s1;
	[bflag:$0x2] =	sbarrier.arrive $0xFFFF  }
0x6c: {  	[sflag:s0] =	ssyncadd.tile.s32 @!p0 $0x1;
	_ =	shalt  }
.Lfunc_end2:
_tile_overlayer_lowered:
.L_overlay_start_2:
0x6d: {  	(tag) =	ssettag $0x2  }
0x6e: {  	s0 =	rddreg [dreg:$0x0];
	s2 =	stileid.u32  }
0x6f: {  	s1 =	rddreg [dreg:$0x1];
	p0 =	sne.s32 s2, $0x0  }
0x70: {  	s3 =	rddreg [dreg:$0x2];
	[bflag:$0x3] =	sbarrier.arrive $0xFFFF;
	s2 =	simm.s32 @!p0 $0x1C03  }
0x71: {  	[timem:s3], [sflag:s2] =	dma.local @!p0 [hbm:s0], s1  }
0x72: {  	s0 =	simm.s32 @!p0 $0x3  }
0x73: {  	_ =	swait.ge @!p0 [sflag:s0], s1  }
0x74: {  	s1 =	ssub.s32 @!p0 $0x0, s1;
	[sflag:s0] =	ssyncset.done @!p0 $0x0  }
0x75: {  	[sflag:s0] =	ssyncadd.s32 @!p0 s1  }
0x76: {  	[bflag:$0x3] =	sbarrier.arrive $0xFFFF  }
0x77: {  	_ =	shalt  }

</sc_bundles>
